<compile_context>
chip_gen: v7x
topology: tpu7x:2x2x1
jax: 0.10.2.dev20260603
libtpu: 0.0.44.dev20260713+nightly
codegen_flags: <defaults>
</compile_context>

<pallas_src>
import functools

import jax
import jax.numpy as jnp
from jax import lax
from jax.experimental import pallas as pl
from jax.experimental.pallas import tpu as pltpu
from jax.experimental.pallas import tpu_sc as plsc

B, S, D = 16, 2048, 1024
R = B * S
NC, NS = 2, 16
NW = NC * NS
RPW = R // NW
C = 32
NCHUNK = RPW // C



_MESH = plsc.VectorSubcoreMesh(core_axis_name="c", subcore_axis_name="s")


@functools.partial(
    pl.kernel,
    mesh=_MESH,
    out_type=[
        jax.ShapeDtypeStruct((R, D), jnp.float32),
        jax.ShapeDtypeStruct((R, D), jnp.float32),
        jax.ShapeDtypeStruct((R,), jnp.float32),
    ],
    scratch_types=[
        pltpu.VMEM((NCHUNK, C), jnp.int32),
        pltpu.VMEM((C, D), jnp.float32),
        pltpu.VMEM((R,), jnp.float32),
        pltpu.VMEM((RPW,), jnp.float32),
        pltpu.SemaphoreType.DMA,
    ],
    compiler_params=pltpu.CompilerParams(needs_layout_passes=False),
)
def _sc_shuffle(data_hbm, inits_hbm, label_hbm, idx_hbm,
                dout_hbm, iout_hbm, lout_hbm,
                idx_v, buf, lab_v, lout_v, sem):
    wid = lax.axis_index("s") * NC + lax.axis_index("c")
    base = wid * RPW

    pltpu.sync_copy(idx_hbm.at[wid], idx_v)

    def gather_tensor(src_hbm, dst_hbm):
        def step(j, carry):
            pltpu.async_copy(src_hbm.at[idx_v.at[j]], buf, sem).wait()
            pltpu.sync_copy(buf, dst_hbm.at[pl.ds(base + j * C, C)])
            return carry
        lax.fori_loop(0, NCHUNK, step, 0)

    gather_tensor(data_hbm, dout_hbm)
    gather_tensor(inits_hbm, iout_hbm)

    pltpu.sync_copy(label_hbm, lab_v)

    def lstep(j, carry):
        for h in range(C // 16):
            ivec = idx_v[j, pl.ds(h * 16, 16)]
            lout_v[pl.ds(j * C + h * 16, 16)] = plsc.load_gather(lab_v, [ivec])
        return carry
    lax.fori_loop(0, NCHUNK, lstep, 0)
    pltpu.sync_copy(lout_v, lout_hbm.at[pl.ds(base, RPW)])


def kernel(data_view, label, inits_view):
    perms = jax.random.permutation(jax.random.key(42), S)
    row_idx = (jnp.arange(B, dtype=jnp.int32)[:, None] * S
               + perms[None, :].astype(jnp.int32))
    idx = row_idx.reshape(NW, NCHUNK, C)
    dout, iout, lout = _sc_shuffle(
        data_view.reshape(R, D), inits_view.reshape(R, D),
        label.reshape(R), idx)
    return (dout.reshape(B, S, D), lout, iout.reshape(B, S, D), perms)

# --- scband reference (transcript-rebuilt; emitter-appended) ---
"""Pipeline reference for scband-shuffler-89232240541788 (READ-ONLY COPY).

The authoritative reference and input builder live on the scoring server;
editing this copy changes nothing except your own understanding.
"""

import jax, jax.numpy as jnp
import numpy as np

# Faithful JAX translation of Shuffler(mode='random_shuffle_data')._shuffle_data_outer.
# The original torch module takes served_dict = {'data': {view: T}, 'label': {k: T}, 'inits': {view: T}}
# with a single view each; we flatten that structure into three tensors.
# torch.randperm is replaced by jax.random.permutation with a fixed key for determinism.

def setup_inputs(seed: int = 0) -> dict:
    key = jax.random.key(seed)
    k1, k2, k3 = jax.random.split(key, 3)
    data_view = jax.random.normal(k1, (16, 2048, 1024), dtype=jnp.float32)
    label = jax.random.normal(k2, (16, 2048), dtype=jnp.float32)
    inits_view = jax.random.normal(k3, (16, 2048, 1024), dtype=jnp.float32)
    return {"data_view": data_view, "label": label, "inits_view": inits_view}


def reference(data_view, label, inits_view):
    # perms = torch.randperm(data.shape[1])
    perm_key = jax.random.key(42)
    perms = jax.random.permutation(perm_key, data_view.shape[1])
    # served_dict['data'][view][:, perms]
    shuffled_data = jnp.take(data_view, perms, axis=1)
    # served_dict['label'][k][:, perms].flatten()
    shuffled_label = jnp.take(label, perms, axis=1).flatten()
    # served_dict['inits'][view][:, perms]
    shuffled_inits = jnp.take(inits_view, perms, axis=1)
    return (shuffled_data, shuffled_label, shuffled_inits, perms)

if __name__ == "__main__":
    import jax
    _d = setup_inputs()
    print(jax.jit(kernel)(*tuple(_d.values())))

</pallas_src>

<mosaic_0001>
#map = affine_map<(d0, d1) -> (0, 0)>
#map1 = affine_map<(d0, d1) -> (0)>
#map2 = affine_map<(d0, d1) -> (0, 0, 0)>
module attributes {stable_mosaic.version = 14 : i64} {
  func.func @_sc_shuffle(%arg0: i32, %arg1: i32, %arg2: memref<32768x1024xf32, #tpu.memory_space<hbm>>, %arg3: memref<32768x1024xf32, #tpu.memory_space<hbm>>, %arg4: memref<32768xf32, #tpu.memory_space<hbm>>, %arg5: memref<32x32x32xi32, #tpu.memory_space<hbm>>, %arg6: memref<32768x1024xf32, #tpu.memory_space<hbm>>, %arg7: memref<32768x1024xf32, #tpu.memory_space<hbm>>, %arg8: memref<32768xf32, #tpu.memory_space<hbm>>, %arg9: memref<32x32xi32, #tpu.memory_space<vmem>>, %arg10: memref<32x1024xf32, #tpu.memory_space<vmem>>, %arg11: memref<32768xf32, #tpu.memory_space<vmem>>, %arg12: memref<1024xf32, #tpu.memory_space<vmem>>, %arg13: memref<!tpu.dma_semaphore, #tpu.memory_space<semaphore_mem>>) attributes {dimension_semantics = [#tpu.dimension_semantics<core_parallel>, #tpu.dimension_semantics<subcore_parallel>], iteration_bounds = array<i64: 2, 16>, scalar_prefetch = 0 : i64, scratch_operands = 5 : i64, tpu.core_type = #tpu.core_type<sc_vector_subcore>, window_params = [{transform_indices = #map}, {transform_indices = #map}, {transform_indices = #map1}, {transform_indices = #map2}, {transform_indices = #map}, {transform_indices = #map}, {transform_indices = #map1}]} {
    %mul3A = arith.constant 2 : i32
    %mul3A_0 = arith.muli %arg1, %mul3A : i32
    %add3A = arith.addi %mul3A_0, %arg0 : i32
    %mul3A_1 = arith.constant 1024 : i32
    %mul3A_2 = arith.muli %add3A, %mul3A_1 : i32
    "tpu.region"() ({
      %run_scoped3A = tpu.sem_alloc : memref<!tpu.dma_semaphore, #tpu.memory_space<semaphore_mem>>
      %dma_start3A = arith.constant 0 : i32
      %dma_start3A_20 = arith.constant 0 : i32
      %dma_start3A_21 = tpu.memref_slice %arg5[%add3A, %dma_start3A, %dma_start3A_20] : memref<32x32x32xi32, #tpu.memory_space<hbm>> -> memref<1x32x32xi32, #tpu.memory_space<hbm>>
      %dma_start3A_22 = tpu.memref_squeeze %dma_start3A_21 : memref<1x32x32xi32, #tpu.memory_space<hbm>> -> memref<32x32xi32, #tpu.memory_space<hbm>>
      %dma_start3A_23 = arith.constant 0 : i32
      %dma_start3A_24 = arith.constant 0 : i32
      %dma_start3A_25 = tpu.memref_slice %arg5[%add3A, %dma_start3A_23, %dma_start3A_24] : memref<32x32x32xi32, #tpu.memory_space<hbm>> -> memref<1x32x32xi32, #tpu.memory_space<hbm>>
      %dma_start3A_26 = tpu.memref_squeeze %dma_start3A_25 : memref<1x32x32xi32, #tpu.memory_space<hbm>> -> memref<32x32xi32, #tpu.memory_space<hbm>>
      tpu.enqueue_dma source(%dma_start3A_26 : memref<32x32xi32, #tpu.memory_space<hbm>>) target(%arg9 : memref<32x32xi32, #tpu.memory_space<vmem>>) target_semaphore(%run_scoped3A : memref<!tpu.dma_semaphore, #tpu.memory_space<semaphore_mem>>)
      %dma_wait3A = arith.constant 0 : i32
      %dma_wait3A_27 = arith.constant 0 : i32
      %dma_wait3A_28 = tpu.memref_slice %arg5[%add3A, %dma_wait3A, %dma_wait3A_27] : memref<32x32x32xi32, #tpu.memory_space<hbm>> -> memref<1x32x32xi32, #tpu.memory_space<hbm>>
      %dma_wait3A_29 = tpu.memref_squeeze %dma_wait3A_28 : memref<1x32x32xi32, #tpu.memory_space<hbm>> -> memref<32x32xi32, #tpu.memory_space<hbm>>
      %dma_wait3A_30 = arith.constant 0 : i32
      %dma_wait3A_31 = arith.constant 0 : i32
      %dma_wait3A_32 = tpu.memref_slice %arg5[%add3A, %dma_wait3A_30, %dma_wait3A_31] : memref<32x32x32xi32, #tpu.memory_space<hbm>> -> memref<1x32x32xi32, #tpu.memory_space<hbm>>
      %dma_wait3A_33 = tpu.memref_squeeze %dma_wait3A_32 : memref<1x32x32xi32, #tpu.memory_space<hbm>> -> memref<32x32xi32, #tpu.memory_space<hbm>>
      tpu.wait_dma2 semaphore(%run_scoped3A : memref<!tpu.dma_semaphore, #tpu.memory_space<semaphore_mem>>) src(%dma_wait3A_33 : memref<32x32xi32, #tpu.memory_space<hbm>>) dst(%arg9 : memref<32x32xi32, #tpu.memory_space<vmem>>)
      tpu.yield
    }) : () -> ()
    %scan3A = arith.constant 0 : i32
    %scan3A_3 = arith.constant 0 : i32
    %scan3A_4 = arith.constant 32 : i32
    %scan3A_5 = arith.addi %scan3A_3, %scan3A_4 : i32
    %scan3A_6 = arith.constant 1 : i32
    scf.for %scan3A_20 = %scan3A_3 to %scan3A_5 step %scan3A_6  : i32 {
      %dma_start3A = arith.constant 0 : i32
      %dma_start3A_21 = tpu.memref_slice %arg9[%scan3A_20, %dma_start3A] : memref<32x32xi32, #tpu.memory_space<vmem>> -> memref<1x32xi32, #tpu.memory_space<vmem>>
      %dma_start3A_22 = tpu.memref_squeeze %dma_start3A_21 : memref<1x32xi32, #tpu.memory_space<vmem>> -> memref<32xi32, #tpu.memory_space<vmem>>
      %dma_start3A_23 = arith.constant 0 : i32
      %dma_start3A_24 = arith.constant 0 : i32
      %dma_start3A_25 = tpu.memref_slice %arg2[%dma_start3A_23, %dma_start3A_24] : memref<32768x1024xf32, #tpu.memory_space<hbm>> -> memref<32768x1024xf32, #tpu.memory_space<hbm>>
      tpu.enqueue_indirect_dma source(%dma_start3A_25 : memref<32768x1024xf32, #tpu.memory_space<hbm>>) target(%arg10 : memref<32x1024xf32, #tpu.memory_space<vmem>>) offsets(%dma_start3A_22 : memref<32xi32, #tpu.memory_space<vmem>>) semaphore(%arg13 : memref<!tpu.dma_semaphore, #tpu.memory_space<semaphore_mem>>)
      %dma_wait3A = arith.constant 0 : i32
      %dma_wait3A_26 = tpu.memref_slice %arg9[%scan3A_20, %dma_wait3A] : memref<32x32xi32, #tpu.memory_space<vmem>> -> memref<1x32xi32, #tpu.memory_space<vmem>>
      %dma_wait3A_27 = tpu.memref_squeeze %dma_wait3A_26 : memref<1x32xi32, #tpu.memory_space<vmem>> -> memref<32xi32, #tpu.memory_space<vmem>>
      %dma_wait3A_28 = arith.constant 0 : i32
      %dma_wait3A_29 = arith.constant 0 : i32
      %dma_wait3A_30 = tpu.memref_slice %arg2[%dma_wait3A_28, %dma_wait3A_29] : memref<32768x1024xf32, #tpu.memory_space<hbm>> -> memref<32768x1024xf32, #tpu.memory_space<hbm>>
      tpu.wait_indirect_dma semaphore(%arg13 : memref<!tpu.dma_semaphore, #tpu.memory_space<semaphore_mem>>) src(%dma_wait3A_30 : memref<32768x1024xf32, #tpu.memory_space<hbm>>) dst(%arg10 : memref<32x1024xf32, #tpu.memory_space<vmem>>)
      %mul3A_31 = arith.constant 32 : i32
      %mul3A_32 = arith.muli %scan3A_20, %mul3A_31 : i32
      %add3A_33 = arith.addi %mul3A_2, %mul3A_32 : i32
      "tpu.region"() ({
        %run_scoped3A = tpu.sem_alloc : memref<!tpu.dma_semaphore, #tpu.memory_space<semaphore_mem>>
        %dma_start3A_34 = arith.constant 0 : i32
        %dma_start3A_35 = tpu.memref_slice %arg6[%add3A_33, %dma_start3A_34] : memref<32768x1024xf32, #tpu.memory_space<hbm>> -> memref<32x1024xf32, #tpu.memory_space<hbm>>
        %dma_start3A_36 = arith.constant 0 : i32
        %dma_start3A_37 = tpu.memref_slice %arg6[%add3A_33, %dma_start3A_36] : memref<32768x1024xf32, #tpu.memory_space<hbm>> -> memref<32x1024xf32, #tpu.memory_space<hbm>>
        tpu.enqueue_dma source(%arg10 : memref<32x1024xf32, #tpu.memory_space<vmem>>) target(%dma_start3A_37 : memref<32x1024xf32, #tpu.memory_space<hbm>>) target_semaphore(%run_scoped3A : memref<!tpu.dma_semaphore, #tpu.memory_space<semaphore_mem>>)
        %dma_wait3A_38 = arith.constant 0 : i32
        %dma_wait3A_39 = tpu.memref_slice %arg6[%add3A_33, %dma_wait3A_38] : memref<32768x1024xf32, #tpu.memory_space<hbm>> -> memref<32x1024xf32, #tpu.memory_space<hbm>>
        %dma_wait3A_40 = arith.constant 0 : i32
        %dma_wait3A_41 = tpu.memref_slice %arg6[%add3A_33, %dma_wait3A_40] : memref<32768x1024xf32, #tpu.memory_space<hbm>> -> memref<32x1024xf32, #tpu.memory_space<hbm>>
        tpu.wait_dma2 semaphore(%run_scoped3A : memref<!tpu.dma_semaphore, #tpu.memory_space<semaphore_mem>>) src(%arg10 : memref<32x1024xf32, #tpu.memory_space<vmem>>) dst(%dma_wait3A_41 : memref<32x1024xf32, #tpu.memory_space<hbm>>)
        tpu.yield
      }) : () -> ()
    }
    %scan3A_7 = arith.constant 32 : i32
    %scan3A_8 = arith.constant 0 : i32
    %scan3A_9 = arith.constant 0 : i32
    %scan3A_10 = arith.constant 32 : i32
    %scan3A_11 = arith.addi %scan3A_9, %scan3A_10 : i32
    %scan3A_12 = arith.constant 1 : i32
    scf.for %scan3A_20 = %scan3A_9 to %scan3A_11 step %scan3A_12  : i32 {
      %dma_start3A = arith.constant 0 : i32
      %dma_start3A_21 = tpu.memref_slice %arg9[%scan3A_20, %dma_start3A] : memref<32x32xi32, #tpu.memory_space<vmem>> -> memref<1x32xi32, #tpu.memory_space<vmem>>
      %dma_start3A_22 = tpu.memref_squeeze %dma_start3A_21 : memref<1x32xi32, #tpu.memory_space<vmem>> -> memref<32xi32, #tpu.memory_space<vmem>>
      %dma_start3A_23 = arith.constant 0 : i32
      %dma_start3A_24 = arith.constant 0 : i32
      %dma_start3A_25 = tpu.memref_slice %arg3[%dma_start3A_23, %dma_start3A_24] : memref<32768x1024xf32, #tpu.memory_space<hbm>> -> memref<32768x1024xf32, #tpu.memory_space<hbm>>
      tpu.enqueue_indirect_dma source(%dma_start3A_25 : memref<32768x1024xf32, #tpu.memory_space<hbm>>) target(%arg10 : memref<32x1024xf32, #tpu.memory_space<vmem>>) offsets(%dma_start3A_22 : memref<32xi32, #tpu.memory_space<vmem>>) semaphore(%arg13 : memref<!tpu.dma_semaphore, #tpu.memory_space<semaphore_mem>>)
      %dma_wait3A = arith.constant 0 : i32
      %dma_wait3A_26 = tpu.memref_slice %arg9[%scan3A_20, %dma_wait3A] : memref<32x32xi32, #tpu.memory_space<vmem>> -> memref<1x32xi32, #tpu.memory_space<vmem>>
      %dma_wait3A_27 = tpu.memref_squeeze %dma_wait3A_26 : memref<1x32xi32, #tpu.memory_space<vmem>> -> memref<32xi32, #tpu.memory_space<vmem>>
      %dma_wait3A_28 = arith.constant 0 : i32
      %dma_wait3A_29 = arith.constant 0 : i32
      %dma_wait3A_30 = tpu.memref_slice %arg3[%dma_wait3A_28, %dma_wait3A_29] : memref<32768x1024xf32, #tpu.memory_space<hbm>> -> memref<32768x1024xf32, #tpu.memory_space<hbm>>
      tpu.wait_indirect_dma semaphore(%arg13 : memref<!tpu.dma_semaphore, #tpu.memory_space<semaphore_mem>>) src(%dma_wait3A_30 : memref<32768x1024xf32, #tpu.memory_space<hbm>>) dst(%arg10 : memref<32x1024xf32, #tpu.memory_space<vmem>>)
      %mul3A_31 = arith.constant 32 : i32
      %mul3A_32 = arith.muli %scan3A_20, %mul3A_31 : i32
      %add3A_33 = arith.addi %mul3A_2, %mul3A_32 : i32
      "tpu.region"() ({
        %run_scoped3A = tpu.sem_alloc : memref<!tpu.dma_semaphore, #tpu.memory_space<semaphore_mem>>
        %dma_start3A_34 = arith.constant 0 : i32
        %dma_start3A_35 = tpu.memref_slice %arg7[%add3A_33, %dma_start3A_34] : memref<32768x1024xf32, #tpu.memory_space<hbm>> -> memref<32x1024xf32, #tpu.memory_space<hbm>>
        %dma_start3A_36 = arith.constant 0 : i32
        %dma_start3A_37 = tpu.memref_slice %arg7[%add3A_33, %dma_start3A_36] : memref<32768x1024xf32, #tpu.memory_space<hbm>> -> memref<32x1024xf32, #tpu.memory_space<hbm>>
        tpu.enqueue_dma source(%arg10 : memref<32x1024xf32, #tpu.memory_space<vmem>>) target(%dma_start3A_37 : memref<32x1024xf32, #tpu.memory_space<hbm>>) target_semaphore(%run_scoped3A : memref<!tpu.dma_semaphore, #tpu.memory_space<semaphore_mem>>)
        %dma_wait3A_38 = arith.constant 0 : i32
        %dma_wait3A_39 = tpu.memref_slice %arg7[%add3A_33, %dma_wait3A_38] : memref<32768x1024xf32, #tpu.memory_space<hbm>> -> memref<32x1024xf32, #tpu.memory_space<hbm>>
        %dma_wait3A_40 = arith.constant 0 : i32
        %dma_wait3A_41 = tpu.memref_slice %arg7[%add3A_33, %dma_wait3A_40] : memref<32768x1024xf32, #tpu.memory_space<hbm>> -> memref<32x1024xf32, #tpu.memory_space<hbm>>
        tpu.wait_dma2 semaphore(%run_scoped3A : memref<!tpu.dma_semaphore, #tpu.memory_space<semaphore_mem>>) src(%arg10 : memref<32x1024xf32, #tpu.memory_space<vmem>>) dst(%dma_wait3A_41 : memref<32x1024xf32, #tpu.memory_space<hbm>>)
        tpu.yield
      }) : () -> ()
    }
    %scan3A_13 = arith.constant 32 : i32
    "tpu.region"() ({
      %run_scoped3A = tpu.sem_alloc : memref<!tpu.dma_semaphore, #tpu.memory_space<semaphore_mem>>
      tpu.enqueue_dma source(%arg4 : memref<32768xf32, #tpu.memory_space<hbm>>) target(%arg11 : memref<32768xf32, #tpu.memory_space<vmem>>) target_semaphore(%run_scoped3A : memref<!tpu.dma_semaphore, #tpu.memory_space<semaphore_mem>>)
      tpu.wait_dma2 semaphore(%run_scoped3A : memref<!tpu.dma_semaphore, #tpu.memory_space<semaphore_mem>>) src(%arg4 : memref<32768xf32, #tpu.memory_space<hbm>>) dst(%arg11 : memref<32768xf32, #tpu.memory_space<vmem>>)
      tpu.yield
    }) : () -> ()
    %scan3A_14 = arith.constant 0 : i32
    %scan3A_15 = arith.constant 0 : i32
    %scan3A_16 = arith.constant 32 : i32
    %scan3A_17 = arith.addi %scan3A_15, %scan3A_16 : i32
    %scan3A_18 = arith.constant 1 : i32
    scf.for %scan3A_20 = %scan3A_15 to %scan3A_17 step %scan3A_18  : i32 {
      %get3A = arith.index_cast %scan3A_20 : i32 to index
      %get3A_21 = arith.constant 0 : index
      %get3A_22 = tpu.vector_load %arg9[%get3A, %get3A_21] {strides = array<i32>} : memref<32x32xi32, #tpu.memory_space<vmem>>, vector<16xi32>,
      %gather3A = tpu.vector_load_idx %arg11[%get3A_22] : memref<32768xf32, #tpu.memory_space<vmem>>[vector<16xi32>], vector<16xf32>,
      %mul3A_23 = arith.constant 32 : i32
      %mul3A_24 = arith.muli %scan3A_20, %mul3A_23 : i32
      %add3A_25 = arith.constant 0 : i32
      %add3A_26 = arith.addi %mul3A_24, %add3A_25 : i32
      %swap3A = arith.index_cast %add3A_26 : i32 to index
      %swap3A_27 = tpu.vector_load %arg12[%swap3A] {strides = array<i32>} : memref<1024xf32, #tpu.memory_space<vmem>>, vector<16xf32>,
      tpu.vector_store %arg12[%swap3A], %gather3A {strides = array<i32>} : memref<1024xf32, #tpu.memory_space<vmem>>, vector<16xf32>,
      %get3A_28 = arith.index_cast %scan3A_20 : i32 to index
      %get3A_29 = arith.constant 16 : index
      %get3A_30 = tpu.vector_load %arg9[%get3A_28, %get3A_29] {strides = array<i32>} : memref<32x32xi32, #tpu.memory_space<vmem>>, vector<16xi32>,
      %gather3A_31 = tpu.vector_load_idx %arg11[%get3A_30] : memref<32768xf32, #tpu.memory_space<vmem>>[vector<16xi32>], vector<16xf32>,
      %mul3A_32 = arith.constant 32 : i32
      %mul3A_33 = arith.muli %scan3A_20, %mul3A_32 : i32
      %add3A_34 = arith.constant 16 : i32
      %add3A_35 = arith.addi %mul3A_33, %add3A_34 : i32
      %swap3A_36 = arith.index_cast %add3A_35 : i32 to index
      %swap3A_37 = tpu.vector_load %arg12[%swap3A_36] {strides = array<i32>} : memref<1024xf32, #tpu.memory_space<vmem>>, vector<16xf32>,
      tpu.vector_store %arg12[%swap3A_36], %gather3A_31 {strides = array<i32>} : memref<1024xf32, #tpu.memory_space<vmem>>, vector<16xf32>,
    }
    %scan3A_19 = arith.constant 32 : i32
    "tpu.region"() ({
      %run_scoped3A = tpu.sem_alloc : memref<!tpu.dma_semaphore, #tpu.memory_space<semaphore_mem>>
      %dma_start3A = tpu.memref_slice %arg8[%mul3A_2] : memref<32768xf32, #tpu.memory_space<hbm>> -> memref<1024xf32, #tpu.memory_space<hbm>>
      %dma_start3A_20 = tpu.memref_slice %arg8[%mul3A_2] : memref<32768xf32, #tpu.memory_space<hbm>> -> memref<1024xf32, #tpu.memory_space<hbm>>
      tpu.enqueue_dma source(%arg12 : memref<1024xf32, #tpu.memory_space<vmem>>) target(%dma_start3A_20 : memref<1024xf32, #tpu.memory_space<hbm>>) target_semaphore(%run_scoped3A : memref<!tpu.dma_semaphore, #tpu.memory_space<semaphore_mem>>)
      %dma_wait3A = tpu.memref_slice %arg8[%mul3A_2] : memref<32768xf32, #tpu.memory_space<hbm>> -> memref<1024xf32, #tpu.memory_space<hbm>>
      %dma_wait3A_21 = tpu.memref_slice %arg8[%mul3A_2] : memref<32768xf32, #tpu.memory_space<hbm>> -> memref<1024xf32, #tpu.memory_space<hbm>>
      tpu.wait_dma2 semaphore(%run_scoped3A : memref<!tpu.dma_semaphore, #tpu.memory_space<semaphore_mem>>) src(%arg12 : memref<1024xf32, #tpu.memory_space<vmem>>) dst(%dma_wait3A_21 : memref<1024xf32, #tpu.memory_space<hbm>>)
      tpu.yield
    }) : () -> ()
    return
  }
}

</mosaic_0001>

<sc_bundles>
// kernel: kernel.3.cloned.1.call-start
scs
__scs_entry_jumppad:
0x0: {  	(pc) =	sbr.rel $0x88, $3  }
0x1: {  	(tag) =	ssettag $0x0;
	lr =	simm.s32 $0x1  }
0x2: {  	[smem:$0x3F9E] =	sst lr;
	_ =	strace $0xD0000000  }
0x3: {  	_ = 	snop  }
0x4: {  	_ = 	snop  }
0x5: {  	_ = 	snop  }
0x6: {  	_ = 	snop  }
0x7: {  	_ = 	snop  }
__scs_overlays_trampoline_lowered:
0x8: {  	[smem:$0x3FAD] =	sst s0  }
0x9: {  	[smem:$0x3FAE] =	sst s1  }
0xa: {  	[smem:$0x3FAF] =	sst s2  }
0xb: {  	[smem:$0x3FB0] =	sst s3  }
0xc: {  	[smem:$0x3FB1] =	sst s4  }
0xd: {  	[smem:$0x3FB2] =	sst s5  }
0xe: {  	[smem:$0x3FB3] =	sst s6  }
0xf: {  	[smem:$0x3FB4] =	sst s7  }
0x10: {  	[smem:$0x3FB5] =	sst s8  }
0x11: {  	[smem:$0x3FB6] =	sst s9;
	s0 =	simm.s32 @!p0 $0x0  }
0x12: {  	s1 =	sld [smem:$0x3F9C];
	s0 =	simm.s32 @p0 $0x1  }
0x13: {  	[smem:$0x3FB7] =	sst s0;
	s0 =	simm.s32 @!p1 $0x0  }
0x14: {  	s2 =	sld [smem:$0x3F9B];
	s0 =	simm.s32 @p1 $0x1  }
0x15: {  	[smem:$0x3FB8] =	sst s0;
	s0 =	simm.s32 @!p2 $0x0  }
0x16: {  	s3 =	sld [smem:$0x3FDB];
	s0 =	simm.s32 @p2 $0x1  }
0x17: {  	s4 =	simm.s32 $0x1BF5;
	[smem:$0x3FBA] =	sst s0  }
0x18: {  	s0 =	sld [smem:$0x3F9D];
	_ =	swait.ge [sflag:s4], $0x0  }
0x19: {  	s7 =	sld [smem:$0x3F9E]  }
0x1a: {  	s8 =	sadd.s32 $0xFFFFE003, lr  }
0x1b: {  	s9 =	sadd.s32 $0xFFFFFEF7, lr;
	s5 =	simm.s32 $0xFFFFFFFF;
	p2 =	slt.u32 s8, $0xFFFFF086  }
0x1c: {  	p1 =	slt.u32 s9, $0xF7A;
	s5 =	simm.s32 @!p2 $0x0  }
0x1d: {  	s5 =	simm.s32 @p1 $0x1;
	p0 =	seq.s32 s7, s2  }
0x1e: {  	s7 =	smul.u32 @!p0 $0xF7A, s2;
	p2 =	seq.s32 @!p0 s5, $0x0  }
0x1f: {  	s9 =	smul.u32 $0xF7A, s1;
	s8 =	simm.s32 @!p0 $0x1BF5;
	p2 =	por !p2, p0  }
0x20: {  	[sflag:s8] =	ssyncset.s32 @!p0 $0xFFFFF086;
	s6 =	sadd.s32 @!p0 s3, s7;
	s7 =	simm.s32 @!p0 $0x108  }
0x21: {  	s3 =	sadd.s32 s3, s9;
	s6 =	sadd.s32 @!p0 $0x88, s6;
	s7 =	simm.s32 @p2 $0x1082  }
0x22: {  	[simem:s7], [sflag:s8] =	dma.local @!p0 [hbm:s6], $0xF7A  }
0x23: {  	s9 =	sor.u32 $0xD0000000, s2;
	s6 =	simm.s32 $0x108;
	_ =	swait.ge @!p0 [sflag:s8], $0x0  }
0x24: {  	s3 =	sadd.s32 $0x88, s3;
	s6 =	simm.s32 @!p1 $0x1082;
	[sflag:s4] =	ssyncset.s32 $0xFFFFF086  }
0x25: {  	[simem:s6], [sflag:s4] =	dma.local [hbm:s3], $0xF7A  }
0x26: {  	[smem:$0x3F9E] =	sst s1;
	(tag) =	ssettag s2;
	_ =	strace s9  }
0x27: {  	s1 =	sld [smem:$0x3FAE]  }
0x28: {  	s2 =	sld [smem:$0x3FAF]  }
0x29: {  	s4 =	sld [smem:$0x3FB1]  }
0x2a: {  	p0 =	seq.s32 s5, $0x0;
	s5 =	sld [smem:$0x3FB2]  }
0x2b: {  	s6 =	sld [smem:$0x3FB3]  }
0x2c: {  	s7 =	sld [smem:$0x3FB4]  }
0x2d: {  	s3 =	simm.s32 $0x108;
	s8 =	sld [smem:$0x3FB5]  }
0x2e: {  	s3 =	simm.s32 @!p0 $0x1082;
	s9 =	sld [smem:$0x3FB6]  }
0x2f: {  	lr =	sadd.s32 s0, s3;
	s0 =	sld [smem:$0x3FAD]  }
0x30: {  	s3 =	sld [smem:$0x3FB0]  }
0x31: {  	[smem:$0x3FB9] =	sst s10  }
0x32: {  	s10 =	sld [smem:$0x3FB7];
	_ =	sdelay $0x3  }
0x33: {  	p0 =	seq.s32 s10, $0x1;
	s10 =	sld [smem:$0x3FB9];
	_ =	sdelay $0x3  }
0x34: {  	[smem:$0x3FB9] =	sst s10  }
0x35: {  	s10 =	sld [smem:$0x3FB8];
	_ =	sdelay $0x3  }
0x36: {  	p1 =	seq.s32 s10, $0x1;
	s10 =	sld [smem:$0x3FB9];
	_ =	sdelay $0x3  }
0x37: {  	[smem:$0x3FB9] =	sst s10  }
0x38: {  	s10 =	sld [smem:$0x3FBA]  }
0x39: {  	_ = 	snop;
	(pc) =	sbr.ind lr, $3  }
0x3a: {  	_ = 	snop  }
0x3b: {  	_ = 	snop  }
0x3c: {  	p2 =	seq.s32 s10, $0x1;
	s10 =	sld [smem:$0x3FB9]  }
0x3d: {  	_ =	shalt  }
0x3e: {  	_ =	shalt  }
0x3f: {  	_ =	shalt  }
0x40: {  	_ =	shalt  }
0x41: {  	_ =	shalt  }
0x42: {  	_ =	shalt  }
0x43: {  	_ =	shalt  }
0x44: {  	_ =	shalt  }
0x45: {  	_ =	shalt  }
0x46: {  	_ =	shalt  }
0x47: {  	_ =	shalt  }
0x48: {  	_ =	shalt  }
0x49: {  	_ =	shalt  }
0x4a: {  	_ =	shalt  }
0x4b: {  	_ =	shalt  }
0x4c: {  	_ =	shalt  }
0x4d: {  	_ =	shalt  }
0x4e: {  	_ =	shalt  }
0x4f: {  	_ =	shalt  }
0x50: {  	_ =	shalt  }
0x51: {  	_ =	shalt  }
0x52: {  	_ =	shalt  }
0x53: {  	_ =	shalt  }
0x54: {  	_ =	shalt  }
0x55: {  	_ =	shalt  }
0x56: {  	_ =	shalt  }
0x57: {  	_ =	shalt  }
0x58: {  	_ =	shalt  }
0x59: {  	_ =	shalt  }
0x5a: {  	_ =	shalt  }
0x5b: {  	_ =	shalt  }
0x5c: {  	_ =	shalt  }
0x5d: {  	_ =	shalt  }
0x5e: {  	_ =	shalt  }
0x5f: {  	_ =	shalt  }
0x60: {  	_ =	shalt  }
0x61: {  	_ =	shalt  }
0x62: {  	_ =	shalt  }
0x63: {  	_ =	shalt  }
0x64: {  	_ =	shalt  }
0x65: {  	_ =	shalt  }
0x66: {  	_ =	shalt  }
0x67: {  	_ =	shalt  }
0x68: {  	_ =	shalt  }
0x69: {  	_ =	shalt  }
0x6a: {  	_ =	shalt  }
0x6b: {  	_ =	shalt  }
0x6c: {  	_ =	shalt  }
0x6d: {  	_ =	shalt  }
0x6e: {  	_ =	shalt  }
0x6f: {  	_ =	shalt  }
0x70: {  	_ =	shalt  }
0x71: {  	_ =	shalt  }
0x72: {  	_ =	shalt  }
0x73: {  	_ =	shalt  }
0x74: {  	_ =	shalt  }
0x75: {  	_ =	shalt  }
0x76: {  	_ =	shalt  }
0x77: {  	_ =	shalt  }
0x78: {  	_ =	shalt  }
0x79: {  	_ =	shalt  }
0x7a: {  	_ =	shalt  }
0x7b: {  	_ =	shalt  }
0x7c: {  	_ =	shalt  }
0x7d: {  	_ =	shalt  }
0x7e: {  	_ =	shalt  }
0x7f: {  	_ =	shalt  }
0x80: {  	_ =	shalt  }
0x81: {  	_ =	shalt  }
0x82: {  	_ =	shalt  }
0x83: {  	_ =	shalt  }
0x84: {  	_ =	shalt  }
0x85: {  	_ =	shalt  }
0x86: {  	_ =	shalt  }
0x87: {  	_ =	shalt  }
.Lfunc_end0:
.L_simem_size_0:
called_computation_lowered:
.L_overlay_start_0:
0x88: {  	s2 =	sld [smem:$0x3FD9]  }
0x89: {  	s3 =	sld [smem:$0x3FFE];
	_ =	sdelay $0x1  }
0x8a: {  	s1 =	srdreg.scid  }
0x8b: {  	s0 =	sand.u32 $0x1, s1  }
0x8c: {  	s14 =	sshll.u32 s0, $0xA;
	s2 =	sadd.s32 s3, s2  }
0x8d: {  	s2 =	sadd.s32 s2, s14  }
0x8e: {  	[smem:$0x3FC5] =	sst s2  }
0x8f: {  	_ = 	snop  }
0x90: {  	s2 =	sld [smem:$0x3FD0];
	_ =	sdelay $0x1  }
0x91: {  	s15 =	sld [smem:$0x3FC9]  }
0x92: {  	s5 =	simm.s32 $0xA;
	s6 =	simm.s32 $0x10;
	s4 =	sld [smem:$0x3FC7]  }
0x93: {  	[smem:s6], [sflag:s5] =	dma.local [hbm:s2], $0x1  }
0x94: {  	_ =	swait.eq [sflag:s5], $0x1  }
0x95: {  	s16 =	sld [smem:$0x10];
	[sflag:s5] =	ssyncset.done $0x0  }
0x96: {  	s17 =	sld [smem:$0x11];
	[sflag:s5] =	ssyncadd.s32 $0xFFFFFFFF  }
0x97: {  	s18 =	sld [smem:$0x12];
	(tm) =	ssettm $0x1  }
0x98: {  	s7 =	sld [smem:$0x3FFB];
	_ =	sdelay $0x3  }
0x99: {  	_ =	strace s7  }
0x9a: {  	s7 =	sld [smem:$0x3FFC];
	_ =	sdelay $0x3  }
0x9b: {  	_ =	strace s7  }
0x9c: {  	s7 =	sld [smem:$0x3FFD];
	_ =	sdelay $0x3  }
0x9d: {  	_ =	strace s7  }
0x9e: {  	_ =	strace $0x8FFFFFFF  }
0x9f: {  	s19 =	sld [smem:$0x3FDB];
	_ =	sdelay $0x1  }
0xa0: {  	s8 =	simm.s32 $_scs_section_size  }
0xa1: {  	s9 =	simm.s32 $_size__tile_overlayer_lowered;
	s10 =	simm.s32 $_tile_overlayer_lowered  }
0xa2: {  	s22 =	simm.s32 $0x1BFF;
	s21 =	sshll.u32 s10, $0x1;
	s7 =	sadd.s32 s8, s19  }
0xa3: {  	s11 =	simm.s32 $0x0;
	s20 =	sshll.u32 s9, $0x1;
	s9 =	sadd.s32 s21, s7  }
0xa4: {  	[timem:s11], [sflag:s22] =	dma.local [hbm:s9], s20  }
0xa5: {  	_ =	swait.ge [sflag:s22], s20  }
0xa6: {  	s8 =	ssub.s32 $0x0, s20;
	[sflag:s22] =	ssyncset.done $0x0  }
0xa7: {  	[sflag:s22] =	ssyncadd.s32 s8;
	_ =	sdelay $0x1  }
0xa8: {  	s23 =	simm.s32 $0x1B8B  }
0xa9: {  	_ =	swait.ge [sflag:s23], $0x1  }
0xaa: {  	[sflag:s23] =	ssyncset.done $0x0  }
0xab: {  	s25 =	simm.s32 $0x1B8E;
	s24 =	sld [smem:$0x3FFE];
	[sflag:s23] =	ssyncadd.s32 $0xFFFFFFFF  }
0xac: {  	s26 =	simm.s32 $execute0_lowered;
	[smem:$0x3FD2] =	sst s25  }
0xad: {  	s9 =	sshll.u32 s26, $0x1;
	_ =	strace $0x80000046;
	[dreg:$0x1] =	wrdreg $0xFFFFFFFF  }
0xae: {  	s28 =	simm.s32 $_size_execute0_lowered;
	s7 =	sadd.s32 s7, s9;
	[dreg:$0x0] =	wrdreg $0x0  }
0xaf: {  	s9 =	sshll.u32 s28, $0x1;
	[dreg:$0x2] =	wrdreg s7  }
0xb0: {  	[dreg:$0x3] =	wrdreg s9  }
0xb1: {  	[dreg:$0x4] =	wrdreg $0xC0  }
0xb2: {  	_ =	task [dreg:s11], $0x5FFFF  }
0xb3: {  	[dreg:$0x1] =	wrdreg $0xFFFFFFFF  }
0xb4: {  	[dreg:$0x0] =	wrdreg $0x60  }
0xb5: {  	[dreg:$0x2] =	wrdreg s15  }
0xb6: {  	[dreg:$0x3] =	wrdreg s4  }
0xb7: {  	[dreg:$0x4] =	wrdreg s24  }
0xb8: {  	[dreg:$0x5] =	wrdreg s16  }
0xb9: {  	[dreg:$0x6] =	wrdreg s18  }
0xba: {  	[dreg:$0x7] =	wrdreg s17  }
0xbb: {  	[dreg:$0x8] =	wrdreg $0x9  }
0xbc: {  	_ =	task.clear_ibuf [dreg:s11], $0x9FFFF;
	_ =	strace $0x90000046  }
0xbd: {  	s29 =	simm.s32 $0x9;
	_ =	strace $0x80000048  }
0xbe: {  	_ =	swait.ge [sflag:s29], $0x1  }
0xbf: {  	[sflag:s29] =	ssyncadd.s32 $0xFFFFFFFF  }
0xc0: {  	_ =	strace $0x90000048  }
0xc1: {  	_ =	sfence  }
0xc2: {  	s30 =	sld [smem:$0x0];
	_ =	sdelay $0x2  }
0xc3: {  	s31 =	sshll.u32 s1, $0xD;
	s1 =	sshrl.u32 s1, $0x2  }
0xc4: {  	s3 =	sand.u32 $0x4000, s31;
	s1 =	sadd.s32 s1, s30  }
0xc5: {  	s0 =	sor.u32 s3, s0;
	s1 =	sshll.u32 s1, $0x11  }
0xc6: {  	s0 =	sor.u32 s1, s0  }
0xc7: {  	s0 =	sadd.s32 $0x8F2B, s0  }
0xc8: {  	[sflag:s0] =	ssyncadd.remote.s32 $0x1  }
0xc9: {  	_ =	sfence.sel $0xFFFF  }
0xca: {  	[dreg:$0x0] =	wrdreg $0xFFFFFFFF;
	(pc) =	sbr.abs _section_cstart, $3  }
0xcb: {  	[dreg:$0x1] =	wrdreg $0xFFFFFFFF  }
0xcc: {  	_ =	task.clear_ibuf [dreg:s11], $0x2FFFF;
	_ =	strace $0x9FFFFFFF  }
0xcd: {  	(tm) =	ssettm $0x7FFFFFFF  }
tec
execute0_lowered:
.L_overlay_start_1:
0x0: {  	(tag) =	ssettag $0x1  }
0x1: {  	s0 =	rddreg [dreg:$0x0]  }
0x2: {  	s1 =	rddreg [dreg:$0x1]  }
0x3: {  	s9 =	rddreg [dreg:$0x2]  }
0x4: {  	s2 =	rddreg [dreg:$0x3]  }
0x5: {  	s3 =	rddreg [dreg:$0x4];
	s4 =	srdreg.scid  }
0x6: {  	s15 =	stileid.u32;
	s6 =	rddreg [dreg:$0x5];
	s17 =	simm.s32 $0x2  }
0x7: {  	s18 =	simm.s32 $0x1000;
	s31 =	simm.s32 $0x6800;
	s4 =	sand.u32 $0x1, s4  }
0x8: {  	s5 =	sshll.u32 s15, $0x1;
	s10 =	sadd.s32 $0x100, s1;
	s11 =	sadd.s32 $0x200, s1  }
0x9: {  	s28 =	sshll.u32 s15, $0x12;
	s12 =	sor.u32 s4, s5;
	s5 =	simm.s32 $0x0  }
0xa: {  	s8 =	ssub.s32 $0x2, s4;
	s2 =	sadd.s32 s28, s2;
	s4 =	sshll.u32 s4, $0x11  }
0xb: {  	s3 =	sadd.s32 s28, s3;
	s7 =	sshll.u32 s12, $0x9;
	[smem:$0x7FF] =	sst s5  }
0xc: {  	s26 =	sshrl.u32 s8, $0x1;
	s14 =	sshll.u32 s12, $0x7;
	s12 =	sadd.s32 $0x300, s1  }
0xd: {  	s2 =	sadd.s32 s4, s2;
	s30 =	sadd.s32 s4, s3;
	s7 =	sadd.s32 s7, s9  }
0xe: {  	_ =	strace $0x80000047;
	s13 =	ssub.s32 s8, s26;
	[dreg:$0xa] =	wrdreg s2  }
0xf: {  	s8 =	sadd.s32 $0x200, s0;
	s6 =	sadd.s32 s6, s14;
	[dreg:$0xb] =	wrdreg s30  }
0x10: {  	v2 =	vlaneseq.u32;
	s9 =	sadd.s32 $0x300, s0;
	s7 =	sadd.s32 $0x1000, s7;
	[dreg:$0x8] =	wrdreg s6  }
0x11: {  	vm0 =	vmmov $0xffff;
	v1 =	vshrl.u32 v2, $0x3;
	s2 =	simm.s32 $0x0;
	s29 =	smax.u32 s13, $0x1;
	[dreg:$0x7] =	wrdreg s7  }
0x12: {  	v0 =	vand.u32 $0x7, v2;
	v2 =	vor.u32 $0x8, v2;
	v1 =	vmul.u32 $0x8, v1;
	s6 =	simm.s32 $0x1;
	s7 =	sadd.s32 $0x100, s0;
	[dreg:$0x9] =	wrdreg s29  }
.LBB2_1:
0x13: {  	[dreg:$0xc] =	wrdreg s2  }
0x14: {  	s14 =	rddreg [dreg:$0x7];
	s4 =	simm.s32 $0x7000  }
0x15: {  	s2 =	simm.s32 $0x7800;
	s3 =	simm.s32 $0x8000;
	s13 =	simm.s32 $0x8800  }
0x16: {  	s30 =	simm.s32 $0x6000;
	s29 =	simm.s32 $0x5800;
	s28 =	simm.s32 $0x5000  }
0x17: {  	s26 =	simm.s32 $0x4800;
	s25 =	simm.s32 $0x4000;
	s24 =	simm.s32 $0x3800  }
0x18: {  	[tilespmem:s5], [sflag:$0x2] =	stream.linear.gather [hbm4b:s14+s5], $0x1000, $0x38;
	[tilespmem:$0x11400] =	vst v63  }
0x19: {  	s23 =	simm.s32 $0x3000;
	s22 =	simm.s32 $0x2800;
	_ =	swait.ge [sflag:s17], $0x1000  }
0x1a: {  	s21 =	simm.s32 $0x2000;
	s20 =	simm.s32 $0x1800;
	[sflag:s17] =	ssyncset.done $0x0  }
0x1b: {  	s14 =	simm.s32 $0x0;
	s16 =	rddreg [dreg:$0xa];
	[sflag:s17] =	ssyncadd.s32 $0xFFFFF000  }
.LBB2_2:
0x1c: {  	s19 =	sshra.s32 s14, $0x2  }
0x1d: {  	v3 =	vld [tilespmem:s19+$0x0];
	_ =	sdelay $0x4  }
0x1e: {  	v4 =	vshll.u32 v3, $0x3  }
0x1f: {  	v3 =	vand.u32 $0x7, v3;
	v4 =	vand.u32 $0xFFFFFFC0, v4  }
0x20: {  	v3 =	vor.u32 v3, v4  }
0x21: {  	v4 =	vperm.xlane v3, v0;
	_ =	sdelay $0x1  }
0x22: {  	v4 =	vadd.s32 v1, v4;
	_ =	sdelay $0x3  }
0x23: {  	s15 =	simm.s32 $0x0  }
0x24: {  	[tilespmem:s18], [sflag:$0x1] =	stream.indirect_vreg.gather [hbm4b:s0+s15], $0x80, v4, vm0, $0xb8;
	[tilespmem:$0x11400] =	vst v63  }
0x25: {  	v3 =	vperm.xlane v3, v2  }
0x26: {  	[tilespmem:s20], [sflag:$0x1] =	stream.indirect_vreg.gather [hbm4b:s7+s15], $0x80, v4, vm0, $0xb8;
	[tilespmem:$0x11400] =	vst v63  }
0x27: {  	v3 =	vadd.s32 v1, v3  }
0x28: {  	[tilespmem:s21], [sflag:$0x1] =	stream.indirect_vreg.gather [hbm4b:s8+s15], $0x80, v4, vm0, $0xb8;
	[tilespmem:$0x11400] =	vst v63  }
0x29: {  	_ = 	snop  }
0x2a: {  	[tilespmem:s22], [sflag:$0x1] =	stream.indirect_vreg.gather [hbm4b:s9+s15], $0x80, v4, vm0, $0xb8;
	[tilespmem:$0x11400] =	vst v63  }
0x2b: {  	_ = 	snop  }
0x2c: {  	[tilespmem:s23], [sflag:$0x1] =	stream.indirect_vreg.gather [hbm4b:s0+s15], $0x80, v3, vm0, $0xb8;
	[tilespmem:$0x11400] =	vst v63  }
0x2d: {  	_ = 	snop  }
0x2e: {  	[tilespmem:s24], [sflag:$0x1] =	stream.indirect_vreg.gather [hbm4b:s7+s15], $0x80, v3, vm0, $0xb8;
	[tilespmem:$0x11400] =	vst v63  }
0x2f: {  	_ = 	snop  }
0x30: {  	[tilespmem:s25], [sflag:$0x1] =	stream.indirect_vreg.gather [hbm4b:s8+s15], $0x80, v3, vm0, $0xb8;
	[tilespmem:$0x11400] =	vst v63  }
0x31: {  	_ = 	snop  }
0x32: {  	[tilespmem:s26], [sflag:$0x1] =	stream.indirect_vreg.gather [hbm4b:s9+s15], $0x80, v3, vm0, $0xb8;
	[tilespmem:$0x11400] =	vst v63  }
0x33: {  	v3 =	vld [tilespmem:s19+$0x10];
	_ =	sdelay $0x4  }
0x34: {  	v63 =	vshll.u32 v3, $0x3  }
0x35: {  	v3 =	vand.u32 $0x7, v3;
	v4 =	vand.u32 $0xFFFFFFC0, v63  }
0x36: {  	v3 =	vor.u32 v3, v4  }
0x37: {  	v4 =	vperm.xlane v3, v0;
	_ =	sdelay $0x1  }
0x38: {  	v4 =	vadd.s32 v1, v4;
	_ =	sdelay $0x4  }
0x39: {  	[tilespmem:s28], [sflag:$0x1] =	stream.indirect_vreg.gather [hbm4b:s0+s15], $0x80, v4, vm0, $0xb8;
	[tilespmem:$0x11400] =	vst v63  }
0x3a: {  	v3 =	vperm.xlane v3, v2  }
0x3b: {  	[tilespmem:s29], [sflag:$0x1] =	stream.indirect_vreg.gather [hbm4b:s7+s15], $0x80, v4, vm0, $0xb8;
	[tilespmem:$0x11400] =	vst v63  }
0x3c: {  	v3 =	vadd.s32 v1, v3  }
0x3d: {  	[tilespmem:s30], [sflag:$0x1] =	stream.indirect_vreg.gather [hbm4b:s8+s15], $0x80, v4, vm0, $0xb8;
	[tilespmem:$0x11400] =	vst v63  }
0x3e: {  	_ = 	snop  }
0x3f: {  	[tilespmem:s31], [sflag:$0x1] =	stream.indirect_vreg.gather [hbm4b:s9+s15], $0x80, v4, vm0, $0xb8;
	[tilespmem:$0x11400] =	vst v63  }
0x40: {  	_ = 	snop  }
0x41: {  	[tilespmem:s4], [sflag:$0x1] =	stream.indirect_vreg.gather [hbm4b:s0+s15], $0x80, v3, vm0, $0xb8;
	[tilespmem:$0x11400] =	vst v63  }
0x42: {  	_ = 	snop  }
0x43: {  	[tilespmem:s2], [sflag:$0x1] =	stream.indirect_vreg.gather [hbm4b:s7+s15], $0x80, v3, vm0, $0xb8;
	[tilespmem:$0x11400] =	vst v63  }
0x44: {  	_ = 	snop  }
0x45: {  	[tilespmem:s3], [sflag:$0x1] =	stream.indirect_vreg.gather [hbm4b:s8+s15], $0x80, v3, vm0, $0xb8;
	[tilespmem:$0x11400] =	vst v63  }
0x46: {  	_ = 	snop  }
0x47: {  	[tilespmem:s13], [sflag:$0x1] =	stream.indirect_vreg.gather [hbm4b:s9+s15], $0x80, v3, vm0, $0xb8;
	[tilespmem:$0x11400] =	vst v63  }
0x48: {  	_ =	swait.ge [sflag:s6], $0x8000  }
0x49: {  	p0 =	sne.s32 s14, $0x3E00;
	[sflag:s6] =	ssyncset.done $0x0  }
.Ltmp0:
0x4a: {  	[sflag:s6] =	ssyncadd.s32 $0xFFFF8000;
	(pc) =	sbr.rel @p0 .LBB2_2-.Ltmp0, $4  }
0x4b: {  	[hbm4b:s16+s15] =	stream.linear.scatter [tilespmem:s18], [sflag:$0x2], $0x8000, $0x38;
	[tilespmem:$0x11400] =	vst v63  }
0x4c: {  	_ =	swait.ge [sflag:s17], $0x8000  }
0x4d: {  	[sflag:s17] =	ssyncset.done $0x0  }
0x4e: {  	s14 =	sadd.s32 $0x200, s14;
	s16 =	sadd.s32 $0x1000, s16;
	[sflag:s17] =	ssyncadd.s32 $0xFFFF8000  }
0x4f: {  	s14 =	rddreg [dreg:$0xb]  }
0x50: {  	s19 =	simm.s32 $0x1800;
	s20 =	simm.s32 $0x2000;
	s21 =	simm.s32 $0x2800  }
0x51: {  	s22 =	simm.s32 $0x3000;
	s23 =	simm.s32 $0x3800;
	s24 =	simm.s32 $0x4000  }
0x52: {  	s25 =	simm.s32 $0x4800;
	s26 =	simm.s32 $0x5000;
	s28 =	simm.s32 $0x5800  }
0x53: {  	s29 =	simm.s32 $0x6000;
	s30 =	simm.s32 $0x6800;
	s4 =	simm.s32 $0x7000  }
0x54: {  	s2 =	simm.s32 $0x7800;
	s3 =	simm.s32 $0x8000;
	s13 =	simm.s32 $0x8800  }
.LBB2_4:
0x55: {  	s16 =	sshra.s32 s15, $0x2  }
0x56: {  	v3 =	vld [tilespmem:s16+$0x0];
	_ =	sdelay $0x4  }
0x57: {  	v4 =	vshll.u32 v3, $0x3  }
0x58: {  	v3 =	vand.u32 $0x7, v3;
	v4 =	vand.u32 $0xFFFFFFC0, v4  }
0x59: {  	v3 =	vor.u32 v3, v4  }
0x5a: {  	v4 =	vperm.xlane v3, v0;
	_ =	sdelay $0x1  }
0x5b: {  	v4 =	vadd.s32 v1, v4;
	_ =	sdelay $0x4  }
0x5c: {  	[tilespmem:s18], [sflag:$0x1] =	stream.indirect_vreg.gather [hbm4b:s1+s5], $0x80, v4, vm0, $0xb8;
	[tilespmem:$0x11400] =	vst v63  }
0x5d: {  	v3 =	vperm.xlane v3, v2  }
0x5e: {  	[tilespmem:s19], [sflag:$0x1] =	stream.indirect_vreg.gather [hbm4b:s10+s5], $0x80, v4, vm0, $0xb8;
	[tilespmem:$0x11400] =	vst v63  }
0x5f: {  	v3 =	vadd.s32 v1, v3  }
0x60: {  	[tilespmem:s20], [sflag:$0x1] =	stream.indirect_vreg.gather [hbm4b:s11+s5], $0x80, v4, vm0, $0xb8;
	[tilespmem:$0x11400] =	vst v63  }
0x61: {  	_ = 	snop  }
0x62: {  	[tilespmem:s21], [sflag:$0x1] =	stream.indirect_vreg.gather [hbm4b:s12+s5], $0x80, v4, vm0, $0xb8;
	[tilespmem:$0x11400] =	vst v63  }
0x63: {  	_ = 	snop  }
0x64: {  	[tilespmem:s22], [sflag:$0x1] =	stream.indirect_vreg.gather [hbm4b:s1+s5], $0x80, v3, vm0, $0xb8;
	[tilespmem:$0x11400] =	vst v63  }
0x65: {  	_ = 	snop  }
0x66: {  	[tilespmem:s23], [sflag:$0x1] =	stream.indirect_vreg.gather [hbm4b:s10+s5], $0x80, v3, vm0, $0xb8;
	[tilespmem:$0x11400] =	vst v63  }
0x67: {  	_ = 	snop  }
0x68: {  	[tilespmem:s24], [sflag:$0x1] =	stream.indirect_vreg.gather [hbm4b:s11+s5], $0x80, v3, vm0, $0xb8;
	[tilespmem:$0x11400] =	vst v63  }
0x69: {  	_ = 	snop  }
0x6a: {  	[tilespmem:s25], [sflag:$0x1] =	stream.indirect_vreg.gather [hbm4b:s12+s5], $0x80, v3, vm0, $0xb8;
	[tilespmem:$0x11400] =	vst v63  }
0x6b: {  	v3 =	vld [tilespmem:s16+$0x10];
	_ =	sdelay $0x4  }
0x6c: {  	v63 =	vshll.u32 v3, $0x3  }
0x6d: {  	v3 =	vand.u32 $0x7, v3;
	v4 =	vand.u32 $0xFFFFFFC0, v63  }
0x6e: {  	v3 =	vor.u32 v3, v4  }
0x6f: {  	v4 =	vperm.xlane v3, v0;
	_ =	sdelay $0x1  }
0x70: {  	v4 =	vadd.s32 v1, v4;
	_ =	sdelay $0x4  }
0x71: {  	[tilespmem:s26], [sflag:$0x1] =	stream.indirect_vreg.gather [hbm4b:s1+s5], $0x80, v4, vm0, $0xb8;
	[tilespmem:$0x11400] =	vst v63  }
0x72: {  	v3 =	vperm.xlane v3, v2  }
0x73: {  	[tilespmem:s28], [sflag:$0x1] =	stream.indirect_vreg.gather [hbm4b:s10+s5], $0x80, v4, vm0, $0xb8;
	[tilespmem:$0x11400] =	vst v63  }
0x74: {  	v3 =	vadd.s32 v1, v3  }
0x75: {  	[tilespmem:s29], [sflag:$0x1] =	stream.indirect_vreg.gather [hbm4b:s11+s5], $0x80, v4, vm0, $0xb8;
	[tilespmem:$0x11400] =	vst v63  }
0x76: {  	_ = 	snop  }
0x77: {  	[tilespmem:s30], [sflag:$0x1] =	stream.indirect_vreg.gather [hbm4b:s12+s5], $0x80, v4, vm0, $0xb8;
	[tilespmem:$0x11400] =	vst v63  }
0x78: {  	_ = 	snop  }
0x79: {  	[tilespmem:s4], [sflag:$0x1] =	stream.indirect_vreg.gather [hbm4b:s1+s5], $0x80, v3, vm0, $0xb8;
	[tilespmem:$0x11400] =	vst v63  }
0x7a: {  	_ = 	snop  }
0x7b: {  	[tilespmem:s2], [sflag:$0x1] =	stream.indirect_vreg.gather [hbm4b:s10+s5], $0x80, v3, vm0, $0xb8;
	[tilespmem:$0x11400] =	vst v63  }
0x7c: {  	_ = 	snop  }
0x7d: {  	[tilespmem:s3], [sflag:$0x1] =	stream.indirect_vreg.gather [hbm4b:s11+s5], $0x80, v3, vm0, $0xb8;
	[tilespmem:$0x11400] =	vst v63  }
0x7e: {  	_ = 	snop  }
0x7f: {  	[tilespmem:s13], [sflag:$0x1] =	stream.indirect_vreg.gather [hbm4b:s12+s5], $0x80, v3, vm0, $0xb8;
	[tilespmem:$0x11400] =	vst v63  }
0x80: {  	_ =	swait.ge [sflag:s6], $0x8000  }
0x81: {  	p0 =	sne.s32 s15, $0x3E00;
	[sflag:s6] =	ssyncset.done $0x0  }
.Ltmp1:
0x82: {  	[sflag:s6] =	ssyncadd.s32 $0xFFFF8000;
	(pc) =	sbr.rel @p0 .LBB2_4-.Ltmp1, $4  }
0x83: {  	[hbm4b:s14+s5] =	stream.linear.scatter [tilespmem:s18], [sflag:$0x2], $0x8000, $0x38;
	[tilespmem:$0x11400] =	vst v63  }
0x84: {  	_ =	swait.ge [sflag:s17], $0x8000  }
0x85: {  	[sflag:s17] =	ssyncset.done $0x0  }
0x86: {  	s15 =	sadd.s32 $0x200, s15;
	s14 =	sadd.s32 $0x1000, s14;
	[sflag:s17] =	ssyncadd.s32 $0xFFFF8000  }
0x87: {  	s14 =	simm.s32 $0x0;
	s15 =	rddreg [dreg:$0x2];
	s2 =	simm.s32 $0x9000  }
0x88: {  	[tilespmem:s2], [sflag:$0x2] =	stream.linear.gather [hbm4b:s15+s14], $0x8000, $0x38;
	[tilespmem:$0x11400] =	vst v63  }
0x89: {  	_ =	swait.ge [sflag:s17], $0x8000  }
0x8a: {  	[sflag:s17] =	ssyncset.done $0x0  }
0x8b: {  	s15 =	simm.s32 $0x10;
	[sflag:s17] =	ssyncadd.s32 $0xFFFF8000  }
.LBB2_6:
0x8c: {  	v3 =	vld [tilespmem:s15+$0xFFFFFFF0];
	_ =	sdelay $0x7  }
0x8d: {  	v3 =	vld.idx.msk [tilespmem:v3+s2+$0x0], $0xffff;
	_ =	sdelay $0x3  }
0x8e: {  	s16 =	sshra.s32 s14, $0x2  }
0x8f: {  	[tilespmem:s16+$0x11000] =	vst v3  }
0x90: {  	v3 =	vld [tilespmem:s15+$0x0];
	_ =	sdelay $0x7  }
0x91: {  	p0 =	sne.s32 s14, $0xF80;
	v3 =	vld.idx.msk [tilespmem:v3+s2+$0x0], $0xffff  }
.Ltmp2:
0x92: {  	_ = 	snop;
	(pc) =	sbr.rel @p0 .LBB2_6-.Ltmp2, $2  }
0x93: {  	_ =	sdelay $0x2  }
0x94: {  	s14 =	sadd.s32 $0x80, s14;
	s15 =	sadd.s32 $0x80, s15;
	[tilespmem:s16+$0x11010] =	vst v3  }
0x95: {  	s14 =	rddreg [dreg:$0x8];
	s2 =	simm.s32 $0x11000  }
0x96: {  	[hbm4b:s14+s5] =	stream.linear.scatter [tilespmem:s2], [sflag:$0x2], $0x400, $0x38;
	[tilespmem:$0x11400] =	vst v63  }
0x97: {  	_ =	swait.ge [sflag:s17], $0x400  }
0x98: {  	s29 =	rddreg [dreg:$0xc]  }
0x99: {  	s30 =	rddreg [dreg:$0x9];
	s2 =	sadd.s32 $0x1, s29  }
0x9a: {  	p0 =	sne.s32 s2, s30  }
.Ltmp3:
0x9b: {  	_ = 	snop;
	(pc) =	sbr.rel @p0 .LBB2_1-.Ltmp3, $3  }
0x9c: {  	_ =	sdelay $0x1  }
0x9d: {  	[sflag:s17] =	ssyncset.done $0x0  }
0x9e: {  	[sflag:s17] =	ssyncadd.s32 $0xFFFFFC00  }
0x9f: {  	_ =	sfence.sel $0x180000  }
0xa0: {  	[bflag:$0x0] =	sbarrier.arrive $0xFFFF  }
0xa1: {  	_ =	strace $0x90000047  }
0xa2: {  	s0 =	stileid.u32;
	[bflag:$0x2] =	sbarrier.arrive $0xFFFF  }
0xa3: {  	p0 =	sne.s32 s0, $0x0;
	s0 =	rddreg [dreg:$0x6]  }
0xa4: {  	s0 =	sadd.s32 @!p0 $0x100000, s0  }
0xa5: {  	[sflag:s0] =	ssyncadd.tile.s32 @!p0 $0x1;
	_ =	shalt  }
.Lfunc_end2:
_tile_overlayer_lowered:
.L_overlay_start_2:
0xa6: {  	(tag) =	ssettag $0x2  }
0xa7: {  	s0 =	rddreg [dreg:$0x0];
	s2 =	stileid.u32  }
0xa8: {  	s1 =	rddreg [dreg:$0x1];
	p0 =	sne.s32 s2, $0x0  }
0xa9: {  	s3 =	rddreg [dreg:$0x2];
	[bflag:$0x3] =	sbarrier.arrive $0xFFFF;
	s2 =	simm.s32 @!p0 $0x1C02  }
0xaa: {  	[timem:s3], [sflag:s2] =	dma.local @!p0 [hbm:s0], s1  }
0xab: {  	s0 =	simm.s32 @!p0 $0x2  }
0xac: {  	_ =	swait.ge @!p0 [sflag:s0], s1  }
0xad: {  	s1 =	ssub.s32 @!p0 $0x0, s1;
	[sflag:s0] =	ssyncset.done @!p0 $0x0  }
0xae: {  	[sflag:s0] =	ssyncadd.s32 @!p0 s1  }
0xaf: {  	[bflag:$0x3] =	sbarrier.arrive $0xFFFF  }
0xb0: {  	_ =	shalt  }

</sc_bundles>
